<compile_context>
chip_gen: v7x
topology: tpu7x:2x2x1
jax: 0.10.2.dev20260603
libtpu: 0.0.44.dev20260713+nightly
codegen_flags: <defaults>
</compile_context>

<pallas_src>
import functools
import jax
import jax.numpy as jnp
from jax import lax
from jax.experimental import pallas as pl
from jax.experimental.pallas import tpu as pltpu
from jax.experimental.pallas import tpu_sc as plsc

NUM_CORES = 2
NUM_SUBCORES = 16
NUM_WORKERS = NUM_CORES * NUM_SUBCORES

SC_ROWS = 64
TC_BB = 64


def _tc_add_body(x_ref, w_ref, o_ref):
    o_ref[...] = x_ref[...] + w_ref[...][None, :, :]


def _tc_add_tail(x, W):
    batch, seq_len, emb = x.shape
    off = SC_ROWS // TC_BB
    return pl.pallas_call(
        _tc_add_body,
        grid=((batch - SC_ROWS) // TC_BB,),
        in_specs=[
            pl.BlockSpec((TC_BB, seq_len, emb), lambda i: (i + off, 0, 0)),
            pl.BlockSpec((seq_len, emb), lambda i: (0, 0)),
        ],
        out_specs=pl.BlockSpec((TC_BB, seq_len, emb), lambda i: (i + off, 0, 0)),
        out_shape=jax.ShapeDtypeStruct((batch, seq_len, emb), x.dtype),
        compiler_params=pltpu.CompilerParams(
            dimension_semantics=("parallel",),
        ),
    )(x, W)


def _patch_body(full_ref, sc_ref, o_ref):
    o_ref[...] = sc_ref[...]


def _patch(tc_out, sc_out):
    batch, seq_len, emb = tc_out.shape
    pb = min(SC_ROWS, 96)
    return pl.pallas_call(
        _patch_body,
        grid=(SC_ROWS // pb,),
        in_specs=[
            pl.BlockSpec(memory_space=pl.ANY),
            pl.BlockSpec((pb, seq_len, emb), lambda i: (i, 0, 0)),
        ],
        out_specs=pl.BlockSpec((pb, seq_len, emb), lambda i: (i, 0, 0)),
        out_shape=jax.ShapeDtypeStruct((batch, seq_len, emb), tc_out.dtype),
        input_output_aliases={0: 0},
    )(tc_out, sc_out)


def _sc_add(x, W, n_rows):
    batch, seq_len, emb = x.shape
    rows_per_w = n_rows // NUM_WORKERS
    mesh = plsc.VectorSubcoreMesh(core_axis_name="c", subcore_axis_name="s")

    @functools.partial(
        pl.kernel,
        mesh=mesh,
        out_type=jax.ShapeDtypeStruct((n_rows, seq_len, emb), jnp.float32),
        scratch_types=[
            pltpu.VMEM((seq_len, emb), jnp.float32),
            pltpu.VMEM((seq_len, emb), jnp.float32),
            pltpu.VMEM((seq_len, emb), jnp.float32),
            pltpu.VMEM((seq_len, emb), jnp.float32),
            pltpu.VMEM((seq_len, emb), jnp.float32),
            pltpu.SemaphoreType.DMA,
            pltpu.SemaphoreType.DMA,
        ],
    )
    def body(x_hbm, w_hbm, o_hbm, w_v, buf0, buf1, buf2, buf3, sem_in, sem_out):
        wid = lax.axis_index("s") * NUM_CORES + lax.axis_index("c")
        base = wid * rows_per_w
        bufs = (buf0, buf1, buf2, buf3)
        nbuf = len(bufs)
        pltpu.sync_copy(w_hbm.at[pl.ds(0, seq_len)], w_v)

        def add_row(buf):
            def chunk_body(p, c2):
                for k in range(emb // 16):
                    o2 = k * 16
                    buf[p, pl.ds(o2, 16)] = (
                        buf[p, pl.ds(o2, 16)] + w_v[p, pl.ds(o2, 16)])
                return c2

            lax.fori_loop(0, seq_len, chunk_body, 0)

        h_in = [None] * rows_per_w
        h_out = [None] * rows_per_w
        h_in[0] = pltpu.async_copy(x_hbm.at[base], bufs[0], sem_in)
        if rows_per_w > 1:
            h_in[1] = pltpu.async_copy(x_hbm.at[base + 1], bufs[1], sem_in)
        for r in range(rows_per_w):
            b = r % nbuf
            if r + 2 < rows_per_w:
                if r >= 2:
                    h_out[r - 2].wait()
                h_in[r + 2] = pltpu.async_copy(
                    x_hbm.at[base + r + 2], bufs[(r + 2) % nbuf], sem_in)
            h_in[r].wait()
            add_row(bufs[b])
            h_out[r] = pltpu.async_copy(bufs[b], o_hbm.at[base + r], sem_out)
        for r in range(max(0, rows_per_w - 4), rows_per_w):
            h_out[r].wait()

    return body(x, W)


def kernel(input_words, W):
    sc_out = _sc_add(input_words, W, SC_ROWS)
    tc_out = _tc_add_tail(input_words, W)
    return _patch(tc_out, sc_out)

# --- scband reference (transcript-rebuilt; emitter-appended) ---
"""Pipeline reference for scband-positional-encoding-9629316677809 (READ-ONLY COPY).

The authoritative reference and input builder live on the scoring server;
editing this copy changes nothing except your own understanding.
"""

import jax, jax.numpy as jnp
import numpy as np

VOCAB_SIZE = 100000
EMB_SIZE = 128
PAD_TOKEN = 0
BATCH = 1024
SEQ_LEN = 200

def setup_inputs(seed: int = 0) -> dict:
    key = jax.random.key(seed)
    k1, k2 = jax.random.split(key)
    input_words = jax.random.normal(k1, (BATCH, SEQ_LEN, EMB_SIZE), dtype=jnp.float32)
    # embedding table with padding_idx row zeroed (matches nn.Embedding padding_idx init)
    W = jax.random.normal(k2, (VOCAB_SIZE, EMB_SIZE), dtype=jnp.float32)
    W = W.at[PAD_TOKEN].set(0.0)
    return {"input_words": input_words, "W": W}

def reference(input_words, W):
    seq_len = input_words.shape[1]
    # pos_id: [1, seq_len]
    pos_id = jnp.arange(seq_len, dtype=jnp.int32)[None, :]
    # embedding lookup -> [1, seq_len, emb]
    pos_emb = jnp.take(W, pos_id, axis=0)
    return pos_emb + input_words

if __name__ == "__main__":
    import jax
    _d = setup_inputs()
    print(jax.jit(kernel)(*tuple(_d.values())))

</pallas_src>

<mosaic_0001>
#map = affine_map<(d0, d1) -> (0, 0, 0)>
#map1 = affine_map<(d0, d1) -> (0, 0)>
module attributes {stable_mosaic.version = 14 : i64} {
  func.func @body(%arg0: i32, %arg1: i32, %arg2: memref<1024x200x128xf32, #tpu.memory_space<hbm>>, %arg3: memref<100000x128xf32, #tpu.memory_space<hbm>>, %arg4: memref<64x200x128xf32, #tpu.memory_space<hbm>>, %arg5: memref<200x128xf32, #tpu.memory_space<vmem>>, %arg6: memref<200x128xf32, #tpu.memory_space<vmem>>, %arg7: memref<200x128xf32, #tpu.memory_space<vmem>>, %arg8: memref<200x128xf32, #tpu.memory_space<vmem>>, %arg9: memref<200x128xf32, #tpu.memory_space<vmem>>, %arg10: memref<!tpu.dma_semaphore, #tpu.memory_space<semaphore_mem>>, %arg11: memref<!tpu.dma_semaphore, #tpu.memory_space<semaphore_mem>>) attributes {dimension_semantics = [#tpu.dimension_semantics<core_parallel>, #tpu.dimension_semantics<subcore_parallel>], iteration_bounds = array<i64: 2, 16>, scalar_prefetch = 0 : i64, scratch_operands = 7 : i64, tpu.core_type = #tpu.core_type<sc_vector_subcore>, window_params = [{transform_indices = #map}, {transform_indices = #map1}, {transform_indices = #map}]} {
    %mul3A = arith.constant 2 : i32
    %mul3A_0 = arith.muli %arg1, %mul3A : i32
    %add3A = arith.addi %mul3A_0, %arg0 : i32
    %mul3A_1 = arith.constant 2 : i32
    %mul3A_2 = arith.muli %add3A, %mul3A_1 : i32
    "tpu.region"() ({
      %run_scoped3A = tpu.sem_alloc : memref<!tpu.dma_semaphore, #tpu.memory_space<semaphore_mem>>
      %dma_start3A_82 = arith.constant 0 : i32
      %dma_start3A_83 = arith.constant 0 : i32
      %dma_start3A_84 = tpu.memref_slice %arg3[%dma_start3A_82, %dma_start3A_83] : memref<100000x128xf32, #tpu.memory_space<hbm>> -> memref<200x128xf32, #tpu.memory_space<hbm>>
      %dma_start3A_85 = arith.constant 0 : i32
      %dma_start3A_86 = arith.constant 0 : i32
      %dma_start3A_87 = tpu.memref_slice %arg3[%dma_start3A_85, %dma_start3A_86] : memref<100000x128xf32, #tpu.memory_space<hbm>> -> memref<200x128xf32, #tpu.memory_space<hbm>>
      tpu.enqueue_dma source(%dma_start3A_87 : memref<200x128xf32, #tpu.memory_space<hbm>>) target(%arg5 : memref<200x128xf32, #tpu.memory_space<vmem>>) target_semaphore(%run_scoped3A : memref<!tpu.dma_semaphore, #tpu.memory_space<semaphore_mem>>)
      %dma_wait3A_88 = arith.constant 0 : i32
      %dma_wait3A_89 = arith.constant 0 : i32
      %dma_wait3A_90 = tpu.memref_slice %arg3[%dma_wait3A_88, %dma_wait3A_89] : memref<100000x128xf32, #tpu.memory_space<hbm>> -> memref<200x128xf32, #tpu.memory_space<hbm>>
      %dma_wait3A_91 = arith.constant 0 : i32
      %dma_wait3A_92 = arith.constant 0 : i32
      %dma_wait3A_93 = tpu.memref_slice %arg3[%dma_wait3A_91, %dma_wait3A_92] : memref<100000x128xf32, #tpu.memory_space<hbm>> -> memref<200x128xf32, #tpu.memory_space<hbm>>
      tpu.wait_dma2 semaphore(%run_scoped3A : memref<!tpu.dma_semaphore, #tpu.memory_space<semaphore_mem>>) src(%dma_wait3A_93 : memref<200x128xf32, #tpu.memory_space<hbm>>) dst(%arg5 : memref<200x128xf32, #tpu.memory_space<vmem>>)
      tpu.yield
    }) : () -> ()
    %dma_start3A = arith.constant 0 : i32
    %dma_start3A_3 = arith.constant 0 : i32
    %dma_start3A_4 = tpu.memref_slice %arg2[%mul3A_2, %dma_start3A, %dma_start3A_3] : memref<1024x200x128xf32, #tpu.memory_space<hbm>> -> memref<1x200x128xf32, #tpu.memory_space<hbm>>
    %dma_start3A_5 = tpu.memref_squeeze %dma_start3A_4 : memref<1x200x128xf32, #tpu.memory_space<hbm>> -> memref<200x128xf32, #tpu.memory_space<hbm>>
    %dma_start3A_6 = arith.constant 0 : i32
    %dma_start3A_7 = arith.constant 0 : i32
    %dma_start3A_8 = tpu.memref_slice %arg2[%mul3A_2, %dma_start3A_6, %dma_start3A_7] : memref<1024x200x128xf32, #tpu.memory_space<hbm>> -> memref<1x200x128xf32, #tpu.memory_space<hbm>>
    %dma_start3A_9 = tpu.memref_squeeze %dma_start3A_8 : memref<1x200x128xf32, #tpu.memory_space<hbm>> -> memref<200x128xf32, #tpu.memory_space<hbm>>
    tpu.enqueue_dma source(%dma_start3A_9 : memref<200x128xf32, #tpu.memory_space<hbm>>) target(%arg6 : memref<200x128xf32, #tpu.memory_space<vmem>>) target_semaphore(%arg10 : memref<!tpu.dma_semaphore, #tpu.memory_space<semaphore_mem>>)
    %add3A_10 = arith.constant 1 : i32
    %add3A_11 = arith.addi %mul3A_2, %add3A_10 : i32
    %dma_start3A_12 = arith.constant 0 : i32
    %dma_start3A_13 = arith.constant 0 : i32
    %dma_start3A_14 = tpu.memref_slice %arg2[%add3A_11, %dma_start3A_12, %dma_start3A_13] : memref<1024x200x128xf32, #tpu.memory_space<hbm>> -> memref<1x200x128xf32, #tpu.memory_space<hbm>>
    %dma_start3A_15 = tpu.memref_squeeze %dma_start3A_14 : memref<1x200x128xf32, #tpu.memory_space<hbm>> -> memref<200x128xf32, #tpu.memory_space<hbm>>
    %dma_start3A_16 = arith.constant 0 : i32
    %dma_start3A_17 = arith.constant 0 : i32
    %dma_start3A_18 = tpu.memref_slice %arg2[%add3A_11, %dma_start3A_16, %dma_start3A_17] : memref<1024x200x128xf32, #tpu.memory_space<hbm>> -> memref<1x200x128xf32, #tpu.memory_space<hbm>>
    %dma_start3A_19 = tpu.memref_squeeze %dma_start3A_18 : memref<1x200x128xf32, #tpu.memory_space<hbm>> -> memref<200x128xf32, #tpu.memory_space<hbm>>
    tpu.enqueue_dma source(%dma_start3A_19 : memref<200x128xf32, #tpu.memory_space<hbm>>) target(%arg7 : memref<200x128xf32, #tpu.memory_space<vmem>>) target_semaphore(%arg10 : memref<!tpu.dma_semaphore, #tpu.memory_space<semaphore_mem>>)
    %dma_wait3A = arith.constant 0 : i32
    %dma_wait3A_20 = arith.constant 0 : i32
    %dma_wait3A_21 = tpu.memref_slice %arg2[%mul3A_2, %dma_wait3A, %dma_wait3A_20] : memref<1024x200x128xf32, #tpu.memory_space<hbm>> -> memref<1x200x128xf32, #tpu.memory_space<hbm>>
    %dma_wait3A_22 = tpu.memref_squeeze %dma_wait3A_21 : memref<1x200x128xf32, #tpu.memory_space<hbm>> -> memref<200x128xf32, #tpu.memory_space<hbm>>
    %dma_wait3A_23 = arith.constant 0 : i32
    %dma_wait3A_24 = arith.constant 0 : i32
    %dma_wait3A_25 = tpu.memref_slice %arg2[%mul3A_2, %dma_wait3A_23, %dma_wait3A_24] : memref<1024x200x128xf32, #tpu.memory_space<hbm>> -> memref<1x200x128xf32, #tpu.memory_space<hbm>>
    %dma_wait3A_26 = tpu.memref_squeeze %dma_wait3A_25 : memref<1x200x128xf32, #tpu.memory_space<hbm>> -> memref<200x128xf32, #tpu.memory_space<hbm>>
    tpu.wait_dma2 semaphore(%arg10 : memref<!tpu.dma_semaphore, #tpu.memory_space<semaphore_mem>>) src(%dma_wait3A_26 : memref<200x128xf32, #tpu.memory_space<hbm>>) dst(%arg6 : memref<200x128xf32, #tpu.memory_space<vmem>>)
    %scan3A = arith.constant 0 : i32
    %scan3A_27 = arith.constant 0 : i32
    %scan3A_28 = arith.constant 200 : i32
    %scan3A_29 = arith.addi %scan3A_27, %scan3A_28 : i32
    %scan3A_30 = arith.constant 1 : i32
    scf.for %scan3A_82 = %scan3A_27 to %scan3A_29 step %scan3A_30  : i32 {
      %get3A = arith.index_cast %scan3A_82 : i32 to index
      %get3A_83 = arith.constant 0 : index
      %get3A_84 = tpu.vector_load %arg6[%get3A, %get3A_83] {strides = array<i32>} : memref<200x128xf32, #tpu.memory_space<vmem>>, vector<1x16xf32>,
      %get3A_85 = vector.shape_cast %get3A_84 : vector<1x16xf32> to vector<16xf32>
      %get3A_86 = arith.index_cast %scan3A_82 : i32 to index
      %get3A_87 = arith.constant 0 : index
      %get3A_88 = tpu.vector_load %arg5[%get3A_86, %get3A_87] {strides = array<i32>} : memref<200x128xf32, #tpu.memory_space<vmem>>, vector<1x16xf32>,
      %get3A_89 = vector.shape_cast %get3A_88 : vector<1x16xf32> to vector<16xf32>
      %add3A_90 = arith.addf %get3A_85, %get3A_89 : vector<16xf32>
      %swap3A = arith.index_cast %scan3A_82 : i32 to index
      %swap3A_91 = arith.constant 0 : index
      %swap3A_92 = tpu.vector_load %arg6[%swap3A, %swap3A_91] {strides = array<i32>} : memref<200x128xf32, #tpu.memory_space<vmem>>, vector<1x16xf32>,
      %swap3A_93 = vector.shape_cast %swap3A_92 : vector<1x16xf32> to vector<16xf32>
      %swap3A_94 = vector.shape_cast %add3A_90 : vector<16xf32> to vector<1x16xf32>
      tpu.vector_store %arg6[%swap3A, %swap3A_91], %swap3A_94 {strides = array<i32>} : memref<200x128xf32, #tpu.memory_space<vmem>>, vector<1x16xf32>,
      %get3A_95 = arith.index_cast %scan3A_82 : i32 to index
      %get3A_96 = arith.constant 16 : index
      %get3A_97 = tpu.vector_load %arg6[%get3A_95, %get3A_96] {strides = array<i32>} : memref<200x128xf32, #tpu.memory_space<vmem>>, vector<1x16xf32>,
      %get3A_98 = vector.shape_cast %get3A_97 : vector<1x16xf32> to vector<16xf32>
      %get3A_99 = arith.index_cast %scan3A_82 : i32 to index
      %get3A_100 = arith.constant 16 : index
      %get3A_101 = tpu.vector_load %arg5[%get3A_99, %get3A_100] {strides = array<i32>} : memref<200x128xf32, #tpu.memory_space<vmem>>, vector<1x16xf32>,
      %get3A_102 = vector.shape_cast %get3A_101 : vector<1x16xf32> to vector<16xf32>
      %add3A_103 = arith.addf %get3A_98, %get3A_102 : vector<16xf32>
      %swap3A_104 = arith.index_cast %scan3A_82 : i32 to index
      %swap3A_105 = arith.constant 16 : index
      %swap3A_106 = tpu.vector_load %arg6[%swap3A_104, %swap3A_105] {strides = array<i32>} : memref<200x128xf32, #tpu.memory_space<vmem>>, vector<1x16xf32>,
      %swap3A_107 = vector.shape_cast %swap3A_106 : vector<1x16xf32> to vector<16xf32>
      %swap3A_108 = vector.shape_cast %add3A_103 : vector<16xf32> to vector<1x16xf32>
      tpu.vector_store %arg6[%swap3A_104, %swap3A_105], %swap3A_108 {strides = array<i32>} : memref<200x128xf32, #tpu.memory_space<vmem>>, vector<1x16xf32>,
      %get3A_109 = arith.index_cast %scan3A_82 : i32 to index
      %get3A_110 = arith.constant 32 : index
      %get3A_111 = tpu.vector_load %arg6[%get3A_109, %get3A_110] {strides = array<i32>} : memref<200x128xf32, #tpu.memory_space<vmem>>, vector<1x16xf32>,
      %get3A_112 = vector.shape_cast %get3A_111 : vector<1x16xf32> to vector<16xf32>
      %get3A_113 = arith.index_cast %scan3A_82 : i32 to index
      %get3A_114 = arith.constant 32 : index
      %get3A_115 = tpu.vector_load %arg5[%get3A_113, %get3A_114] {strides = array<i32>} : memref<200x128xf32, #tpu.memory_space<vmem>>, vector<1x16xf32>,
      %get3A_116 = vector.shape_cast %get3A_115 : vector<1x16xf32> to vector<16xf32>
      %add3A_117 = arith.addf %get3A_112, %get3A_116 : vector<16xf32>
      %swap3A_118 = arith.index_cast %scan3A_82 : i32 to index
      %swap3A_119 = arith.constant 32 : index
      %swap3A_120 = tpu.vector_load %arg6[%swap3A_118, %swap3A_119] {strides = array<i32>} : memref<200x128xf32, #tpu.memory_space<vmem>>, vector<1x16xf32>,
      %swap3A_121 = vector.shape_cast %swap3A_120 : vector<1x16xf32> to vector<16xf32>
      %swap3A_122 = vector.shape_cast %add3A_117 : vector<16xf32> to vector<1x16xf32>
      tpu.vector_store %arg6[%swap3A_118, %swap3A_119], %swap3A_122 {strides = array<i32>} : memref<200x128xf32, #tpu.memory_space<vmem>>, vector<1x16xf32>,
      %get3A_123 = arith.index_cast %scan3A_82 : i32 to index
      %get3A_124 = arith.constant 48 : index
      %get3A_125 = tpu.vector_load %arg6[%get3A_123, %get3A_124] {strides = array<i32>} : memref<200x128xf32, #tpu.memory_space<vmem>>, vector<1x16xf32>,
      %get3A_126 = vector.shape_cast %get3A_125 : vector<1x16xf32> to vector<16xf32>
      %get3A_127 = arith.index_cast %scan3A_82 : i32 to index
      %get3A_128 = arith.constant 48 : index
      %get3A_129 = tpu.vector_load %arg5[%get3A_127, %get3A_128] {strides = array<i32>} : memref<200x128xf32, #tpu.memory_space<vmem>>, vector<1x16xf32>,
      %get3A_130 = vector.shape_cast %get3A_129 : vector<1x16xf32> to vector<16xf32>
      %add3A_131 = arith.addf %get3A_126, %get3A_130 : vector<16xf32>
      %swap3A_132 = arith.index_cast %scan3A_82 : i32 to index
      %swap3A_133 = arith.constant 48 : index
      %swap3A_134 = tpu.vector_load %arg6[%swap3A_132, %swap3A_133] {strides = array<i32>} : memref<200x128xf32, #tpu.memory_space<vmem>>, vector<1x16xf32>,
      %swap3A_135 = vector.shape_cast %swap3A_134 : vector<1x16xf32> to vector<16xf32>
      %swap3A_136 = vector.shape_cast %add3A_131 : vector<16xf32> to vector<1x16xf32>
      tpu.vector_store %arg6[%swap3A_132, %swap3A_133], %swap3A_136 {strides = array<i32>} : memref<200x128xf32, #tpu.memory_space<vmem>>, vector<1x16xf32>,
      %get3A_137 = arith.index_cast %scan3A_82 : i32 to index
      %get3A_138 = arith.constant 64 : index
      %get3A_139 = tpu.vector_load %arg6[%get3A_137, %get3A_138] {strides = array<i32>} : memref<200x128xf32, #tpu.memory_space<vmem>>, vector<1x16xf32>,
      %get3A_140 = vector.shape_cast %get3A_139 : vector<1x16xf32> to vector<16xf32>
      %get3A_141 = arith.index_cast %scan3A_82 : i32 to index
      %get3A_142 = arith.constant 64 : index
      %get3A_143 = tpu.vector_load %arg5[%get3A_141, %get3A_142] {strides = array<i32>} : memref<200x128xf32, #tpu.memory_space<vmem>>, vector<1x16xf32>,
      %get3A_144 = vector.shape_cast %get3A_143 : vector<1x16xf32> to vector<16xf32>
      %add3A_145 = arith.addf %get3A_140, %get3A_144 : vector<16xf32>
      %swap3A_146 = arith.index_cast %scan3A_82 : i32 to index
      %swap3A_147 = arith.constant 64 : index
      %swap3A_148 = tpu.vector_load %arg6[%swap3A_146, %swap3A_147] {strides = array<i32>} : memref<200x128xf32, #tpu.memory_space<vmem>>, vector<1x16xf32>,
      %swap3A_149 = vector.shape_cast %swap3A_148 : vector<1x16xf32> to vector<16xf32>
      %swap3A_150 = vector.shape_cast %add3A_145 : vector<16xf32> to vector<1x16xf32>
      tpu.vector_store %arg6[%swap3A_146, %swap3A_147], %swap3A_150 {strides = array<i32>} : memref<200x128xf32, #tpu.memory_space<vmem>>, vector<1x16xf32>,
      %get3A_151 = arith.index_cast %scan3A_82 : i32 to index
      %get3A_152 = arith.constant 80 : index
      %get3A_153 = tpu.vector_load %arg6[%get3A_151, %get3A_152] {strides = array<i32>} : memref<200x128xf32, #tpu.memory_space<vmem>>, vector<1x16xf32>,
      %get3A_154 = vector.shape_cast %get3A_153 : vector<1x16xf32> to vector<16xf32>
      %get3A_155 = arith.index_cast %scan3A_82 : i32 to index
      %get3A_156 = arith.constant 80 : index
      %get3A_157 = tpu.vector_load %arg5[%get3A_155, %get3A_156] {strides = array<i32>} : memref<200x128xf32, #tpu.memory_space<vmem>>, vector<1x16xf32>,
      %get3A_158 = vector.shape_cast %get3A_157 : vector<1x16xf32> to vector<16xf32>
      %add3A_159 = arith.addf %get3A_154, %get3A_158 : vector<16xf32>
      %swap3A_160 = arith.index_cast %scan3A_82 : i32 to index
      %swap3A_161 = arith.constant 80 : index
      %swap3A_162 = tpu.vector_load %arg6[%swap3A_160, %swap3A_161] {strides = array<i32>} : memref<200x128xf32, #tpu.memory_space<vmem>>, vector<1x16xf32>,
      %swap3A_163 = vector.shape_cast %swap3A_162 : vector<1x16xf32> to vector<16xf32>
      %swap3A_164 = vector.shape_cast %add3A_159 : vector<16xf32> to vector<1x16xf32>
      tpu.vector_store %arg6[%swap3A_160, %swap3A_161], %swap3A_164 {strides = array<i32>} : memref<200x128xf32, #tpu.memory_space<vmem>>, vector<1x16xf32>,
      %get3A_165 = arith.index_cast %scan3A_82 : i32 to index
      %get3A_166 = arith.constant 96 : index
      %get3A_167 = tpu.vector_load %arg6[%get3A_165, %get3A_166] {strides = array<i32>} : memref<200x128xf32, #tpu.memory_space<vmem>>, vector<1x16xf32>,
      %get3A_168 = vector.shape_cast %get3A_167 : vector<1x16xf32> to vector<16xf32>
      %get3A_169 = arith.index_cast %scan3A_82 : i32 to index
      %get3A_170 = arith.constant 96 : index
      %get3A_171 = tpu.vector_load %arg5[%get3A_169, %get3A_170] {strides = array<i32>} : memref<200x128xf32, #tpu.memory_space<vmem>>, vector<1x16xf32>,
      %get3A_172 = vector.shape_cast %get3A_171 : vector<1x16xf32> to vector<16xf32>
      %add3A_173 = arith.addf %get3A_168, %get3A_172 : vector<16xf32>
      %swap3A_174 = arith.index_cast %scan3A_82 : i32 to index
      %swap3A_175 = arith.constant 96 : index
      %swap3A_176 = tpu.vector_load %arg6[%swap3A_174, %swap3A_175] {strides = array<i32>} : memref<200x128xf32, #tpu.memory_space<vmem>>, vector<1x16xf32>,
      %swap3A_177 = vector.shape_cast %swap3A_176 : vector<1x16xf32> to vector<16xf32>
      %swap3A_178 = vector.shape_cast %add3A_173 : vector<16xf32> to vector<1x16xf32>
      tpu.vector_store %arg6[%swap3A_174, %swap3A_175], %swap3A_178 {strides = array<i32>} : memref<200x128xf32, #tpu.memory_space<vmem>>, vector<1x16xf32>,
      %get3A_179 = arith.index_cast %scan3A_82 : i32 to index
      %get3A_180 = arith.constant 112 : index
      %get3A_181 = tpu.vector_load %arg6[%get3A_179, %get3A_180] {strides = array<i32>} : memref<200x128xf32, #tpu.memory_space<vmem>>, vector<1x16xf32>,
      %get3A_182 = vector.shape_cast %get3A_181 : vector<1x16xf32> to vector<16xf32>
      %get3A_183 = arith.index_cast %scan3A_82 : i32 to index
      %get3A_184 = arith.constant 112 : index
      %get3A_185 = tpu.vector_load %arg5[%get3A_183, %get3A_184] {strides = array<i32>} : memref<200x128xf32, #tpu.memory_space<vmem>>, vector<1x16xf32>,
      %get3A_186 = vector.shape_cast %get3A_185 : vector<1x16xf32> to vector<16xf32>
      %add3A_187 = arith.addf %get3A_182, %get3A_186 : vector<16xf32>
      %swap3A_188 = arith.index_cast %scan3A_82 : i32 to index
      %swap3A_189 = arith.constant 112 : index
      %swap3A_190 = tpu.vector_load %arg6[%swap3A_188, %swap3A_189] {strides = array<i32>} : memref<200x128xf32, #tpu.memory_space<vmem>>, vector<1x16xf32>,
      %swap3A_191 = vector.shape_cast %swap3A_190 : vector<1x16xf32> to vector<16xf32>
      %swap3A_192 = vector.shape_cast %add3A_187 : vector<16xf32> to vector<1x16xf32>
      tpu.vector_store %arg6[%swap3A_188, %swap3A_189], %swap3A_192 {strides = array<i32>} : memref<200x128xf32, #tpu.memory_space<vmem>>, vector<1x16xf32>,
    }
    %scan3A_31 = arith.constant 200 : i32
    %add3A_32 = arith.constant 0 : i32
    %add3A_33 = arith.addi %mul3A_2, %add3A_32 : i32
    %dma_start3A_34 = arith.constant 0 : i32
    %dma_start3A_35 = arith.constant 0 : i32
    %dma_start3A_36 = tpu.memref_slice %arg4[%add3A_33, %dma_start3A_34, %dma_start3A_35] : memref<64x200x128xf32, #tpu.memory_space<hbm>> -> memref<1x200x128xf32, #tpu.memory_space<hbm>>
    %dma_start3A_37 = tpu.memref_squeeze %dma_start3A_36 : memref<1x200x128xf32, #tpu.memory_space<hbm>> -> memref<200x128xf32, #tpu.memory_space<hbm>>
    %dma_start3A_38 = arith.constant 0 : i32
    %dma_start3A_39 = arith.constant 0 : i32
    %dma_start3A_40 = tpu.memref_slice %arg4[%add3A_33, %dma_start3A_38, %dma_start3A_39] : memref<64x200x128xf32, #tpu.memory_space<hbm>> -> memref<1x200x128xf32, #tpu.memory_space<hbm>>
    %dma_start3A_41 = tpu.memref_squeeze %dma_start3A_40 : memref<1x200x128xf32, #tpu.memory_space<hbm>> -> memref<200x128xf32, #tpu.memory_space<hbm>>
    tpu.enqueue_dma source(%arg6 : memref<200x128xf32, #tpu.memory_space<vmem>>) target(%dma_start3A_41 : memref<200x128xf32, #tpu.memory_space<hbm>>) target_semaphore(%arg11 : memref<!tpu.dma_semaphore, #tpu.memory_space<semaphore_mem>>)
    %dma_wait3A_42 = arith.constant 0 : i32
    %dma_wait3A_43 = arith.constant 0 : i32
    %dma_wait3A_44 = tpu.memref_slice %arg2[%add3A_11, %dma_wait3A_42, %dma_wait3A_43] : memref<1024x200x128xf32, #tpu.memory_space<hbm>> -> memref<1x200x128xf32, #tpu.memory_space<hbm>>
    %dma_wait3A_45 = tpu.memref_squeeze %dma_wait3A_44 : memref<1x200x128xf32, #tpu.memory_space<hbm>> -> memref<200x128xf32, #tpu.memory_space<hbm>>
    %dma_wait3A_46 = arith.constant 0 : i32
    %dma_wait3A_47 = arith.constant 0 : i32
    %dma_wait3A_48 = tpu.memref_slice %arg2[%add3A_11, %dma_wait3A_46, %dma_wait3A_47] : memref<1024x200x128xf32, #tpu.memory_space<hbm>> -> memref<1x200x128xf32, #tpu.memory_space<hbm>>
    %dma_wait3A_49 = tpu.memref_squeeze %dma_wait3A_48 : memref<1x200x128xf32, #tpu.memory_space<hbm>> -> memref<200x128xf32, #tpu.memory_space<hbm>>
    tpu.wait_dma2 semaphore(%arg10 : memref<!tpu.dma_semaphore, #tpu.memory_space<semaphore_mem>>) src(%dma_wait3A_49 : memref<200x128xf32, #tpu.memory_space<hbm>>) dst(%arg7 : memref<200x128xf32, #tpu.memory_space<vmem>>)
    %scan3A_50 = arith.constant 0 : i32
    %scan3A_51 = arith.constant 0 : i32
    %scan3A_52 = arith.constant 200 : i32
    %scan3A_53 = arith.addi %scan3A_51, %scan3A_52 : i32
    %scan3A_54 = arith.constant 1 : i32
    scf.for %scan3A_82 = %scan3A_51 to %scan3A_53 step %scan3A_54  : i32 {
      %get3A = arith.index_cast %scan3A_82 : i32 to index
      %get3A_83 = arith.constant 0 : index
      %get3A_84 = tpu.vector_load %arg7[%get3A, %get3A_83] {strides = array<i32>} : memref<200x128xf32, #tpu.memory_space<vmem>>, vector<1x16xf32>,
      %get3A_85 = vector.shape_cast %get3A_84 : vector<1x16xf32> to vector<16xf32>
      %get3A_86 = arith.index_cast %scan3A_82 : i32 to index
      %get3A_87 = arith.constant 0 : index
      %get3A_88 = tpu.vector_load %arg5[%get3A_86, %get3A_87] {strides = array<i32>} : memref<200x128xf32, #tpu.memory_space<vmem>>, vector<1x16xf32>,
      %get3A_89 = vector.shape_cast %get3A_88 : vector<1x16xf32> to vector<16xf32>
      %add3A_90 = arith.addf %get3A_85, %get3A_89 : vector<16xf32>
      %swap3A = arith.index_cast %scan3A_82 : i32 to index
      %swap3A_91 = arith.constant 0 : index
      %swap3A_92 = tpu.vector_load %arg7[%swap3A, %swap3A_91] {strides = array<i32>} : memref<200x128xf32, #tpu.memory_space<vmem>>, vector<1x16xf32>,
      %swap3A_93 = vector.shape_cast %swap3A_92 : vector<1x16xf32> to vector<16xf32>
      %swap3A_94 = vector.shape_cast %add3A_90 : vector<16xf32> to vector<1x16xf32>
      tpu.vector_store %arg7[%swap3A, %swap3A_91], %swap3A_94 {strides = array<i32>} : memref<200x128xf32, #tpu.memory_space<vmem>>, vector<1x16xf32>,
      %get3A_95 = arith.index_cast %scan3A_82 : i32 to index
      %get3A_96 = arith.constant 16 : index
      %get3A_97 = tpu.vector_load %arg7[%get3A_95, %get3A_96] {strides = array<i32>} : memref<200x128xf32, #tpu.memory_space<vmem>>, vector<1x16xf32>,
      %get3A_98 = vector.shape_cast %get3A_97 : vector<1x16xf32> to vector<16xf32>
      %get3A_99 = arith.index_cast %scan3A_82 : i32 to index
      %get3A_100 = arith.constant 16 : index
      %get3A_101 = tpu.vector_load %arg5[%get3A_99, %get3A_100] {strides = array<i32>} : memref<200x128xf32, #tpu.memory_space<vmem>>, vector<1x16xf32>,
      %get3A_102 = vector.shape_cast %get3A_101 : vector<1x16xf32> to vector<16xf32>
      %add3A_103 = arith.addf %get3A_98, %get3A_102 : vector<16xf32>
      %swap3A_104 = arith.index_cast %scan3A_82 : i32 to index
      %swap3A_105 = arith.constant 16 : index
      %swap3A_106 = tpu.vector_load %arg7[%swap3A_104, %swap3A_105] {strides = array<i32>} : memref<200x128xf32, #tpu.memory_space<vmem>>, vector<1x16xf32>,
      %swap3A_107 = vector.shape_cast %swap3A_106 : vector<1x16xf32> to vector<16xf32>
      %swap3A_108 = vector.shape_cast %add3A_103 : vector<16xf32> to vector<1x16xf32>
      tpu.vector_store %arg7[%swap3A_104, %swap3A_105], %swap3A_108 {strides = array<i32>} : memref<200x128xf32, #tpu.memory_space<vmem>>, vector<1x16xf32>,
      %get3A_109 = arith.index_cast %scan3A_82 : i32 to index
      %get3A_110 = arith.constant 32 : index
      %get3A_111 = tpu.vector_load %arg7[%get3A_109, %get3A_110] {strides = array<i32>} : memref<200x128xf32, #tpu.memory_space<vmem>>, vector<1x16xf32>,
      %get3A_112 = vector.shape_cast %get3A_111 : vector<1x16xf32> to vector<16xf32>
      %get3A_113 = arith.index_cast %scan3A_82 : i32 to index
      %get3A_114 = arith.constant 32 : index
      %get3A_115 = tpu.vector_load %arg5[%get3A_113, %get3A_114] {strides = array<i32>} : memref<200x128xf32, #tpu.memory_space<vmem>>, vector<1x16xf32>,
      %get3A_116 = vector.shape_cast %get3A_115 : vector<1x16xf32> to vector<16xf32>
      %add3A_117 = arith.addf %get3A_112, %get3A_116 : vector<16xf32>
      %swap3A_118 = arith.index_cast %scan3A_82 : i32 to index
      %swap3A_119 = arith.constant 32 : index
      %swap3A_120 = tpu.vector_load %arg7[%swap3A_118, %swap3A_119] {strides = array<i32>} : memref<200x128xf32, #tpu.memory_space<vmem>>, vector<1x16xf32>,
      %swap3A_121 = vector.shape_cast %swap3A_120 : vector<1x16xf32> to vector<16xf32>
      %swap3A_122 = vector.shape_cast %add3A_117 : vector<16xf32> to vector<1x16xf32>
      tpu.vector_store %arg7[%swap3A_118, %swap3A_119], %swap3A_122 {strides = array<i32>} : memref<200x128xf32, #tpu.memory_space<vmem>>, vector<1x16xf32>,
      %get3A_123 = arith.index_cast %scan3A_82 : i32 to index
      %get3A_124 = arith.constant 48 : index
      %get3A_125 = tpu.vector_load %arg7[%get3A_123, %get3A_124] {strides = array<i32>} : memref<200x128xf32, #tpu.memory_space<vmem>>, vector<1x16xf32>,
      %get3A_126 = vector.shape_cast %get3A_125 : vector<1x16xf32> to vector<16xf32>
      %get3A_127 = arith.index_cast %scan3A_82 : i32 to index
      %get3A_128 = arith.constant 48 : index
      %get3A_129 = tpu.vector_load %arg5[%get3A_127, %get3A_128] {strides = array<i32>} : memref<200x128xf32, #tpu.memory_space<vmem>>, vector<1x16xf32>,
      %get3A_130 = vector.shape_cast %get3A_129 : vector<1x16xf32> to vector<16xf32>
      %add3A_131 = arith.addf %get3A_126, %get3A_130 : vector<16xf32>
      %swap3A_132 = arith.index_cast %scan3A_82 : i32 to index
      %swap3A_133 = arith.constant 48 : index
      %swap3A_134 = tpu.vector_load %arg7[%swap3A_132, %swap3A_133] {strides = array<i32>} : memref<200x128xf32, #tpu.memory_space<vmem>>, vector<1x16xf32>,
      %swap3A_135 = vector.shape_cast %swap3A_134 : vector<1x16xf32> to vector<16xf32>
      %swap3A_136 = vector.shape_cast %add3A_131 : vector<16xf32> to vector<1x16xf32>
      tpu.vector_store %arg7[%swap3A_132, %swap3A_133], %swap3A_136 {strides = array<i32>} : memref<200x128xf32, #tpu.memory_space<vmem>>, vector<1x16xf32>,
      %get3A_137 = arith.index_cast %scan3A_82 : i32 to index
      %get3A_138 = arith.constant 64 : index
      %get3A_139 = tpu.vector_load %arg7[%get3A_137, %get3A_138] {strides = array<i32>} : memref<200x128xf32, #tpu.memory_space<vmem>>, vector<1x16xf32>,
      %get3A_140 = vector.shape_cast %get3A_139 : vector<1x16xf32> to vector<16xf32>
      %get3A_141 = arith.index_cast %scan3A_82 : i32 to index
      %get3A_142 = arith.constant 64 : index
      %get3A_143 = tpu.vector_load %arg5[%get3A_141, %get3A_142] {strides = array<i32>} : memref<200x128xf32, #tpu.memory_space<vmem>>, vector<1x16xf32>,
      %get3A_144 = vector.shape_cast %get3A_143 : vector<1x16xf32> to vector<16xf32>
      %add3A_145 = arith.addf %get3A_140, %get3A_144 : vector<16xf32>
      %swap3A_146 = arith.index_cast %scan3A_82 : i32 to index
      %swap3A_147 = arith.constant 64 : index
      %swap3A_148 = tpu.vector_load %arg7[%swap3A_146, %swap3A_147] {strides = array<i32>} : memref<200x128xf32, #tpu.memory_space<vmem>>, vector<1x16xf32>,
      %swap3A_149 = vector.shape_cast %swap3A_148 : vector<1x16xf32> to vector<16xf32>
      %swap3A_150 = vector.shape_cast %add3A_145 : vector<16xf32> to vector<1x16xf32>
      tpu.vector_store %arg7[%swap3A_146, %swap3A_147], %swap3A_150 {strides = array<i32>} : memref<200x128xf32, #tpu.memory_space<vmem>>, vector<1x16xf32>,
      %get3A_151 = arith.index_cast %scan3A_82 : i32 to index
      %get3A_152 = arith.constant 80 : index
      %get3A_153 = tpu.vector_load %arg7[%get3A_151, %get3A_152] {strides = array<i32>} : memref<200x128xf32, #tpu.memory_space<vmem>>, vector<1x16xf32>,
      %get3A_154 = vector.shape_cast %get3A_153 : vector<1x16xf32> to vector<16xf32>
      %get3A_155 = arith.index_cast %scan3A_82 : i32 to index
      %get3A_156 = arith.constant 80 : index
      %get3A_157 = tpu.vector_load %arg5[%get3A_155, %get3A_156] {strides = array<i32>} : memref<200x128xf32, #tpu.memory_space<vmem>>, vector<1x16xf32>,
      %get3A_158 = vector.shape_cast %get3A_157 : vector<1x16xf32> to vector<16xf32>
      %add3A_159 = arith.addf %get3A_154, %get3A_158 : vector<16xf32>
      %swap3A_160 = arith.index_cast %scan3A_82 : i32 to index
      %swap3A_161 = arith.constant 80 : index
      %swap3A_162 = tpu.vector_load %arg7[%swap3A_160, %swap3A_161] {strides = array<i32>} : memref<200x128xf32, #tpu.memory_space<vmem>>, vector<1x16xf32>,
      %swap3A_163 = vector.shape_cast %swap3A_162 : vector<1x16xf32> to vector<16xf32>
      %swap3A_164 = vector.shape_cast %add3A_159 : vector<16xf32> to vector<1x16xf32>
      tpu.vector_store %arg7[%swap3A_160, %swap3A_161], %swap3A_164 {strides = array<i32>} : memref<200x128xf32, #tpu.memory_space<vmem>>, vector<1x16xf32>,
      %get3A_165 = arith.index_cast %scan3A_82 : i32 to index
      %get3A_166 = arith.constant 96 : index
      %get3A_167 = tpu.vector_load %arg7[%get3A_165, %get3A_166] {strides = array<i32>} : memref<200x128xf32, #tpu.memory_space<vmem>>, vector<1x16xf32>,
      %get3A_168 = vector.shape_cast %get3A_167 : vector<1x16xf32> to vector<16xf32>
      %get3A_169 = arith.index_cast %scan3A_82 : i32 to index
      %get3A_170 = arith.constant 96 : index
      %get3A_171 = tpu.vector_load %arg5[%get3A_169, %get3A_170] {strides = array<i32>} : memref<200x128xf32, #tpu.memory_space<vmem>>, vector<1x16xf32>,
      %get3A_172 = vector.shape_cast %get3A_171 : vector<1x16xf32> to vector<16xf32>
      %add3A_173 = arith.addf %get3A_168, %get3A_172 : vector<16xf32>
      %swap3A_174 = arith.index_cast %scan3A_82 : i32 to index
      %swap3A_175 = arith.constant 96 : index
      %swap3A_176 = tpu.vector_load %arg7[%swap3A_174, %swap3A_175] {strides = array<i32>} : memref<200x128xf32, #tpu.memory_space<vmem>>, vector<1x16xf32>,
      %swap3A_177 = vector.shape_cast %swap3A_176 : vector<1x16xf32> to vector<16xf32>
      %swap3A_178 = vector.shape_cast %add3A_173 : vector<16xf32> to vector<1x16xf32>
      tpu.vector_store %arg7[%swap3A_174, %swap3A_175], %swap3A_178 {strides = array<i32>} : memref<200x128xf32, #tpu.memory_space<vmem>>, vector<1x16xf32>,
      %get3A_179 = arith.index_cast %scan3A_82 : i32 to index
      %get3A_180 = arith.constant 112 : index
      %get3A_181 = tpu.vector_load %arg7[%get3A_179, %get3A_180] {strides = array<i32>} : memref<200x128xf32, #tpu.memory_space<vmem>>, vector<1x16xf32>,
      %get3A_182 = vector.shape_cast %get3A_181 : vector<1x16xf32> to vector<16xf32>
      %get3A_183 = arith.index_cast %scan3A_82 : i32 to index
      %get3A_184 = arith.constant 112 : index
      %get3A_185 = tpu.vector_load %arg5[%get3A_183, %get3A_184] {strides = array<i32>} : memref<200x128xf32, #tpu.memory_space<vmem>>, vector<1x16xf32>,
      %get3A_186 = vector.shape_cast %get3A_185 : vector<1x16xf32> to vector<16xf32>
      %add3A_187 = arith.addf %get3A_182, %get3A_186 : vector<16xf32>
      %swap3A_188 = arith.index_cast %scan3A_82 : i32 to index
      %swap3A_189 = arith.constant 112 : index
      %swap3A_190 = tpu.vector_load %arg7[%swap3A_188, %swap3A_189] {strides = array<i32>} : memref<200x128xf32, #tpu.memory_space<vmem>>, vector<1x16xf32>,
      %swap3A_191 = vector.shape_cast %swap3A_190 : vector<1x16xf32> to vector<16xf32>
      %swap3A_192 = vector.shape_cast %add3A_187 : vector<16xf32> to vector<1x16xf32>
      tpu.vector_store %arg7[%swap3A_188, %swap3A_189], %swap3A_192 {strides = array<i32>} : memref<200x128xf32, #tpu.memory_space<vmem>>, vector<1x16xf32>,
    }
    %scan3A_55 = arith.constant 200 : i32
    %add3A_56 = arith.constant 1 : i32
    %add3A_57 = arith.addi %mul3A_2, %add3A_56 : i32
    %dma_start3A_58 = arith.constant 0 : i32
    %dma_start3A_59 = arith.constant 0 : i32
    %dma_start3A_60 = tpu.memref_slice %arg4[%add3A_57, %dma_start3A_58, %dma_start3A_59] : memref<64x200x128xf32, #tpu.memory_space<hbm>> -> memref<1x200x128xf32, #tpu.memory_space<hbm>>
    %dma_start3A_61 = tpu.memref_squeeze %dma_start3A_60 : memref<1x200x128xf32, #tpu.memory_space<hbm>> -> memref<200x128xf32, #tpu.memory_space<hbm>>
    %dma_start3A_62 = arith.constant 0 : i32
    %dma_start3A_63 = arith.constant 0 : i32
    %dma_start3A_64 = tpu.memref_slice %arg4[%add3A_57, %dma_start3A_62, %dma_start3A_63] : memref<64x200x128xf32, #tpu.memory_space<hbm>> -> memref<1x200x128xf32, #tpu.memory_space<hbm>>
    %dma_start3A_65 = tpu.memref_squeeze %dma_start3A_64 : memref<1x200x128xf32, #tpu.memory_space<hbm>> -> memref<200x128xf32, #tpu.memory_space<hbm>>
    tpu.enqueue_dma source(%arg7 : memref<200x128xf32, #tpu.memory_space<vmem>>) target(%dma_start3A_65 : memref<200x128xf32, #tpu.memory_space<hbm>>) target_semaphore(%arg11 : memref<!tpu.dma_semaphore, #tpu.memory_space<semaphore_mem>>)
    %dma_wait3A_66 = arith.constant 0 : i32
    %dma_wait3A_67 = arith.constant 0 : i32
    %dma_wait3A_68 = tpu.memref_slice %arg4[%add3A_33, %dma_wait3A_66, %dma_wait3A_67] : memref<64x200x128xf32, #tpu.memory_space<hbm>> -> memref<1x200x128xf32, #tpu.memory_space<hbm>>
    %dma_wait3A_69 = tpu.memref_squeeze %dma_wait3A_68 : memref<1x200x128xf32, #tpu.memory_space<hbm>> -> memref<200x128xf32, #tpu.memory_space<hbm>>
    %dma_wait3A_70 = arith.constant 0 : i32
    %dma_wait3A_71 = arith.constant 0 : i32
    %dma_wait3A_72 = tpu.memref_slice %arg4[%add3A_33, %dma_wait3A_70, %dma_wait3A_71] : memref<64x200x128xf32, #tpu.memory_space<hbm>> -> memref<1x200x128xf32, #tpu.memory_space<hbm>>
    %dma_wait3A_73 = tpu.memref_squeeze %dma_wait3A_72 : memref<1x200x128xf32, #tpu.memory_space<hbm>> -> memref<200x128xf32, #tpu.memory_space<hbm>>
    tpu.wait_dma2 semaphore(%arg11 : memref<!tpu.dma_semaphore, #tpu.memory_space<semaphore_mem>>) src(%arg6 : memref<200x128xf32, #tpu.memory_space<vmem>>) dst(%dma_wait3A_73 : memref<200x128xf32, #tpu.memory_space<hbm>>)
    %dma_wait3A_74 = arith.constant 0 : i32
    %dma_wait3A_75 = arith.constant 0 : i32
    %dma_wait3A_76 = tpu.memref_slice %arg4[%add3A_57, %dma_wait3A_74, %dma_wait3A_75] : memref<64x200x128xf32, #tpu.memory_space<hbm>> -> memref<1x200x128xf32, #tpu.memory_space<hbm>>
    %dma_wait3A_77 = tpu.memref_squeeze %dma_wait3A_76 : memref<1x200x128xf32, #tpu.memory_space<hbm>> -> memref<200x128xf32, #tpu.memory_space<hbm>>
    %dma_wait3A_78 = arith.constant 0 : i32
    %dma_wait3A_79 = arith.constant 0 : i32
    %dma_wait3A_80 = tpu.memref_slice %arg4[%add3A_57, %dma_wait3A_78, %dma_wait3A_79] : memref<64x200x128xf32, #tpu.memory_space<hbm>> -> memref<1x200x128xf32, #tpu.memory_space<hbm>>
    %dma_wait3A_81 = tpu.memref_squeeze %dma_wait3A_80 : memref<1x200x128xf32, #tpu.memory_space<hbm>> -> memref<200x128xf32, #tpu.memory_space<hbm>>
    tpu.wait_dma2 semaphore(%arg11 : memref<!tpu.dma_semaphore, #tpu.memory_space<semaphore_mem>>) src(%arg7 : memref<200x128xf32, #tpu.memory_space<vmem>>) dst(%dma_wait3A_81 : memref<200x128xf32, #tpu.memory_space<hbm>>)
    return
  }
}

module attributes {stable_mosaic.version = 14 : i64} {
  func.func @_patch_body(%arg0: i32, %arg1: memref<1024x200x128xf32, #tpu.memory_space<any>>, %arg2: memref<64x200x128xf32, #tpu.memory_space<vmem>>, %arg3: memref<64x200x128xf32, #tpu.memory_space<vmem>>) attributes {dimension_semantics = [#tpu.dimension_semantics<arbitrary>], iteration_bounds = array<i64: 1>, scalar_prefetch = 0 : i64, scratch_operands = 0 : i64, tpu.core_type = #tpu.core_type<tc>, window_params = [{}, {transform_indices = @transform_1, window_bounds = array<i64: 64, 200, 128>}, {transform_indices = @transform_2, window_bounds = array<i64: 64, 200, 128>}]} {
    %get3A = arith.constant 0 : index
    %get3A_0 = arith.constant 0 : index
    %get3A_1 = arith.constant 0 : index
    %get3A_2 = vector.load %arg2[%get3A, %get3A_0, %get3A_1] : memref<64x200x128xf32, #tpu.memory_space<vmem>>, vector<64x200x128xf32>
    %swap3A = arith.constant 0 : index
    %swap3A_3 = arith.constant 0 : index
    %swap3A_4 = arith.constant 0 : index
    %swap3A_5 = vector.load %arg3[%swap3A, %swap3A_3, %swap3A_4] : memref<64x200x128xf32, #tpu.memory_space<vmem>>, vector<64x200x128xf32>
    tpu.vector_store %arg3[%swap3A, %swap3A_3, %swap3A_4], %get3A_2 {strides = array<i32>} : memref<64x200x128xf32, #tpu.memory_space<vmem>>, vector<64x200x128xf32>,
    return
  }
  func.func @transform_1(%arg0: i32) -> (i32, i32, i32) {
    %c0_i32 = arith.constant 0 : i32
    %c0_i32_0 = arith.constant 0 : i32
    %c0_i32_1 = arith.constant 0 : i32
    return %arg0, %c0_i32, %c0_i32_0 : i32, i32, i32
  }
  func.func @transform_2(%arg0: i32) -> (i32, i32, i32) {
    %c0_i32 = arith.constant 0 : i32
    %c0_i32_0 = arith.constant 0 : i32
    %c0_i32_1 = arith.constant 0 : i32
    return %arg0, %c0_i32, %c0_i32_0 : i32, i32, i32
  }
}

module attributes {stable_mosaic.version = 14 : i64} {
  func.func @_tc_add_body(%arg0: i32, %arg1: memref<64x200x128xf32, #tpu.memory_space<vmem>>, %arg2: memref<200x128xf32, #tpu.memory_space<vmem>>, %arg3: memref<64x200x128xf32, #tpu.memory_space<vmem>>) attributes {dimension_semantics = [#tpu.dimension_semantics<parallel>], iteration_bounds = array<i64: 15>, scalar_prefetch = 0 : i64, scratch_operands = 0 : i64, tpu.core_type = #tpu.core_type<tc>, window_params = [{transform_indices = @transform_0, window_bounds = array<i64: 64, 200, 128>}, {transform_indices = @transform_1, window_bounds = array<i64: 200, 128>}, {transform_indices = @transform_2, window_bounds = array<i64: 64, 200, 128>}]} {
    %get3A = arith.constant 0 : index
    %get3A_0 = arith.constant 0 : index
    %get3A_1 = arith.constant 0 : index
    %get3A_2 = vector.load %arg1[%get3A, %get3A_0, %get3A_1] : memref<64x200x128xf32, #tpu.memory_space<vmem>>, vector<64x200x128xf32>
    %get3A_3 = arith.constant 0 : index
    %get3A_4 = arith.constant 0 : index
    %get3A_5 = vector.load %arg2[%get3A_3, %get3A_4] : memref<200x128xf32, #tpu.memory_space<vmem>>, vector<200x128xf32>
    %broadcast_in_dim3A = vector.shape_cast %get3A_5 : vector<200x128xf32> to vector<1x200x128xf32>
    %add3A = vector.broadcast %broadcast_in_dim3A : vector<1x200x128xf32> to vector<64x200x128xf32>
    %add3A_6 = arith.addf %get3A_2, %add3A : vector<64x200x128xf32>
    %swap3A = arith.constant 0 : index
    %swap3A_7 = arith.constant 0 : index
    %swap3A_8 = arith.constant 0 : index
    %swap3A_9 = vector.load %arg3[%swap3A, %swap3A_7, %swap3A_8] : memref<64x200x128xf32, #tpu.memory_space<vmem>>, vector<64x200x128xf32>
    tpu.vector_store %arg3[%swap3A, %swap3A_7, %swap3A_8], %add3A_6 {strides = array<i32>} : memref<64x200x128xf32, #tpu.memory_space<vmem>>, vector<64x200x128xf32>,
    return
  }
  func.func @transform_0(%arg0: i32) -> (i32, i32, i32) {
    %add3A = arith.constant 1 : i32
    %add3A_0 = arith.addi %arg0, %add3A : i32
    %c0_i32 = arith.constant 0 : i32
    %c0_i32_1 = arith.constant 0 : i32
    %c0_i32_2 = arith.constant 0 : i32
    return %add3A_0, %c0_i32, %c0_i32_1 : i32, i32, i32
  }
  func.func @transform_1(%arg0: i32) -> (i32, i32) {
    %c0_i32 = arith.constant 0 : i32
    %c0_i32_0 = arith.constant 0 : i32
    %c0_i32_1 = arith.constant 0 : i32
    return %c0_i32, %c0_i32_0 : i32, i32
  }
  func.func @transform_2(%arg0: i32) -> (i32, i32, i32) {
    %add3A = arith.constant 1 : i32
    %add3A_0 = arith.addi %arg0, %add3A : i32
    %c0_i32 = arith.constant 0 : i32
    %c0_i32_1 = arith.constant 0 : i32
    %c0_i32_2 = arith.constant 0 : i32
    return %add3A_0, %c0_i32, %c0_i32_1 : i32, i32, i32
  }
}

</mosaic_0001>

<sc_bundles>
// kernel: kernel.5.cloned.1.call-start
scs
__scs_entry_jumppad:
0x0: {  	(pc) =	sbr.rel $0x88, $3  }
0x1: {  	(tag) =	ssettag $0x0;
	lr =	simm.s32 $0x1  }
0x2: {  	[smem:$0x3F9F] =	sst lr;
	_ =	strace $0xD0000000  }
0x3: {  	_ = 	snop  }
0x4: {  	_ = 	snop  }
0x5: {  	_ = 	snop  }
0x6: {  	_ = 	snop  }
0x7: {  	_ = 	snop  }
__scs_overlays_trampoline_lowered:
0x8: {  	[smem:$0x3FAE] =	sst s0  }
0x9: {  	[smem:$0x3FAF] =	sst s1  }
0xa: {  	[smem:$0x3FB0] =	sst s2  }
0xb: {  	[smem:$0x3FB1] =	sst s3  }
0xc: {  	[smem:$0x3FB2] =	sst s4  }
0xd: {  	[smem:$0x3FB3] =	sst s5  }
0xe: {  	[smem:$0x3FB4] =	sst s6  }
0xf: {  	[smem:$0x3FB5] =	sst s7  }
0x10: {  	[smem:$0x3FB6] =	sst s8  }
0x11: {  	[smem:$0x3FB7] =	sst s9;
	s0 =	simm.s32 @!p0 $0x0  }
0x12: {  	s1 =	sld [smem:$0x3F9D];
	s0 =	simm.s32 @p0 $0x1  }
0x13: {  	[smem:$0x3FB8] =	sst s0;
	s0 =	simm.s32 @!p1 $0x0  }
0x14: {  	s2 =	sld [smem:$0x3F9C];
	s0 =	simm.s32 @p1 $0x1  }
0x15: {  	[smem:$0x3FB9] =	sst s0;
	s0 =	simm.s32 @!p2 $0x0  }
0x16: {  	s3 =	sld [smem:$0x3FDB];
	s0 =	simm.s32 @p2 $0x1  }
0x17: {  	s4 =	simm.s32 $0x1BF5;
	[smem:$0x3FBB] =	sst s0  }
0x18: {  	s0 =	sld [smem:$0x3F9E];
	_ =	swait.ge [sflag:s4], $0x0  }
0x19: {  	s7 =	sld [smem:$0x3F9F]  }
0x1a: {  	s8 =	sadd.s32 $0xFFFFE003, lr  }
0x1b: {  	s9 =	sadd.s32 $0xFFFFFEF7, lr;
	s5 =	simm.s32 $0xFFFFFFFF;
	p2 =	slt.u32 s8, $0xFFFFF086  }
0x1c: {  	p1 =	slt.u32 s9, $0xF7A;
	s5 =	simm.s32 @!p2 $0x0  }
0x1d: {  	s5 =	simm.s32 @p1 $0x1;
	p0 =	seq.s32 s7, s2  }
0x1e: {  	s7 =	smul.u32 @!p0 $0xF7A, s2;
	p2 =	seq.s32 @!p0 s5, $0x0  }
0x1f: {  	s9 =	smul.u32 $0xF7A, s1;
	s8 =	simm.s32 @!p0 $0x1BF5;
	p2 =	por !p2, p0  }
0x20: {  	[sflag:s8] =	ssyncset.s32 @!p0 $0xFFFFF086;
	s6 =	sadd.s32 @!p0 s3, s7;
	s7 =	simm.s32 @!p0 $0x108  }
0x21: {  	s3 =	sadd.s32 s3, s9;
	s6 =	sadd.s32 @!p0 $0x88, s6;
	s7 =	simm.s32 @p2 $0x1082  }
0x22: {  	[simem:s7], [sflag:s8] =	dma.local @!p0 [hbm:s6], $0xF7A  }
0x23: {  	s9 =	sor.u32 $0xD0000000, s2;
	s6 =	simm.s32 $0x108;
	_ =	swait.ge @!p0 [sflag:s8], $0x0  }
0x24: {  	s3 =	sadd.s32 $0x88, s3;
	s6 =	simm.s32 @!p1 $0x1082;
	[sflag:s4] =	ssyncset.s32 $0xFFFFF086  }
0x25: {  	[simem:s6], [sflag:s4] =	dma.local [hbm:s3], $0xF7A  }
0x26: {  	[smem:$0x3F9F] =	sst s1;
	(tag) =	ssettag s2;
	_ =	strace s9  }
0x27: {  	s1 =	sld [smem:$0x3FAF]  }
0x28: {  	s2 =	sld [smem:$0x3FB0]  }
0x29: {  	s4 =	sld [smem:$0x3FB2]  }
0x2a: {  	p0 =	seq.s32 s5, $0x0;
	s5 =	sld [smem:$0x3FB3]  }
0x2b: {  	s6 =	sld [smem:$0x3FB4]  }
0x2c: {  	s7 =	sld [smem:$0x3FB5]  }
0x2d: {  	s3 =	simm.s32 $0x108;
	s8 =	sld [smem:$0x3FB6]  }
0x2e: {  	s3 =	simm.s32 @!p0 $0x1082;
	s9 =	sld [smem:$0x3FB7]  }
0x2f: {  	lr =	sadd.s32 s0, s3;
	s0 =	sld [smem:$0x3FAE]  }
0x30: {  	s3 =	sld [smem:$0x3FB1]  }
0x31: {  	[smem:$0x3FBA] =	sst s10  }
0x32: {  	s10 =	sld [smem:$0x3FB8];
	_ =	sdelay $0x3  }
0x33: {  	p0 =	seq.s32 s10, $0x1;
	s10 =	sld [smem:$0x3FBA];
	_ =	sdelay $0x3  }
0x34: {  	[smem:$0x3FBA] =	sst s10  }
0x35: {  	s10 =	sld [smem:$0x3FB9];
	_ =	sdelay $0x3  }
0x36: {  	p1 =	seq.s32 s10, $0x1;
	s10 =	sld [smem:$0x3FBA];
	_ =	sdelay $0x3  }
0x37: {  	[smem:$0x3FBA] =	sst s10  }
0x38: {  	s10 =	sld [smem:$0x3FBB]  }
0x39: {  	_ = 	snop;
	(pc) =	sbr.ind lr, $3  }
0x3a: {  	_ = 	snop  }
0x3b: {  	_ = 	snop  }
0x3c: {  	p2 =	seq.s32 s10, $0x1;
	s10 =	sld [smem:$0x3FBA]  }
0x3d: {  	_ =	shalt  }
0x3e: {  	_ =	shalt  }
0x3f: {  	_ =	shalt  }
0x40: {  	_ =	shalt  }
0x41: {  	_ =	shalt  }
0x42: {  	_ =	shalt  }
0x43: {  	_ =	shalt  }
0x44: {  	_ =	shalt  }
0x45: {  	_ =	shalt  }
0x46: {  	_ =	shalt  }
0x47: {  	_ =	shalt  }
0x48: {  	_ =	shalt  }
0x49: {  	_ =	shalt  }
0x4a: {  	_ =	shalt  }
0x4b: {  	_ =	shalt  }
0x4c: {  	_ =	shalt  }
0x4d: {  	_ =	shalt  }
0x4e: {  	_ =	shalt  }
0x4f: {  	_ =	shalt  }
0x50: {  	_ =	shalt  }
0x51: {  	_ =	shalt  }
0x52: {  	_ =	shalt  }
0x53: {  	_ =	shalt  }
0x54: {  	_ =	shalt  }
0x55: {  	_ =	shalt  }
0x56: {  	_ =	shalt  }
0x57: {  	_ =	shalt  }
0x58: {  	_ =	shalt  }
0x59: {  	_ =	shalt  }
0x5a: {  	_ =	shalt  }
0x5b: {  	_ =	shalt  }
0x5c: {  	_ =	shalt  }
0x5d: {  	_ =	shalt  }
0x5e: {  	_ =	shalt  }
0x5f: {  	_ =	shalt  }
0x60: {  	_ =	shalt  }
0x61: {  	_ =	shalt  }
0x62: {  	_ =	shalt  }
0x63: {  	_ =	shalt  }
0x64: {  	_ =	shalt  }
0x65: {  	_ =	shalt  }
0x66: {  	_ =	shalt  }
0x67: {  	_ =	shalt  }
0x68: {  	_ =	shalt  }
0x69: {  	_ =	shalt  }
0x6a: {  	_ =	shalt  }
0x6b: {  	_ =	shalt  }
0x6c: {  	_ =	shalt  }
0x6d: {  	_ =	shalt  }
0x6e: {  	_ =	shalt  }
0x6f: {  	_ =	shalt  }
0x70: {  	_ =	shalt  }
0x71: {  	_ =	shalt  }
0x72: {  	_ =	shalt  }
0x73: {  	_ =	shalt  }
0x74: {  	_ =	shalt  }
0x75: {  	_ =	shalt  }
0x76: {  	_ =	shalt  }
0x77: {  	_ =	shalt  }
0x78: {  	_ =	shalt  }
0x79: {  	_ =	shalt  }
0x7a: {  	_ =	shalt  }
0x7b: {  	_ =	shalt  }
0x7c: {  	_ =	shalt  }
0x7d: {  	_ =	shalt  }
0x7e: {  	_ =	shalt  }
0x7f: {  	_ =	shalt  }
0x80: {  	_ =	shalt  }
0x81: {  	_ =	shalt  }
0x82: {  	_ =	shalt  }
0x83: {  	_ =	shalt  }
0x84: {  	_ =	shalt  }
0x85: {  	_ =	shalt  }
0x86: {  	_ =	shalt  }
0x87: {  	_ =	shalt  }
.Lfunc_end0:
.L_simem_size_0:
called_computation_lowered:
.L_overlay_start_0:
0x88: {  	s2 =	sld [smem:$0x3FD9]  }
0x89: {  	s3 =	sld [smem:$0x3FFE];
	_ =	sdelay $0x1  }
0x8a: {  	s1 =	srdreg.scid  }
0x8b: {  	s0 =	sand.u32 $0x1, s1  }
0x8c: {  	s17 =	sshll.u32 s0, $0xA;
	s2 =	sadd.s32 s3, s2  }
0x8d: {  	s2 =	sadd.s32 s2, s17  }
0x8e: {  	[smem:$0x3FC6] =	sst s2  }
0x8f: {  	_ = 	snop  }
0x90: {  	s2 =	sld [smem:$0x3FC9]  }
0x91: {  	s18 =	sld [smem:$0x3FC8];
	(tm) =	ssettm $0x1  }
0x92: {  	s4 =	sld [smem:$0x3FFB];
	_ =	sdelay $0x3  }
0x93: {  	_ =	strace s4  }
0x94: {  	s4 =	sld [smem:$0x3FFC];
	_ =	sdelay $0x3  }
0x95: {  	_ =	strace s4  }
0x96: {  	s4 =	sld [smem:$0x3FFD];
	_ =	sdelay $0x3  }
0x97: {  	_ =	strace s4  }
0x98: {  	_ =	strace $0x8FFFFFFF  }
0x99: {  	s19 =	sld [smem:$0x3FDB];
	_ =	sdelay $0x1  }
0x9a: {  	s5 =	simm.s32 $_scs_section_size  }
0x9b: {  	s6 =	simm.s32 $_size__tile_overlayer_lowered;
	s7 =	simm.s32 $_tile_overlayer_lowered  }
0x9c: {  	s22 =	simm.s32 $0x1BFF;
	s21 =	sshll.u32 s7, $0x1;
	s4 =	sadd.s32 s5, s19  }
0x9d: {  	s8 =	simm.s32 $0x0;
	s20 =	sshll.u32 s6, $0x1;
	s6 =	sadd.s32 s21, s4  }
0x9e: {  	[timem:s8], [sflag:s22] =	dma.local [hbm:s6], s20  }
0x9f: {  	_ =	swait.ge [sflag:s22], s20  }
0xa0: {  	s5 =	ssub.s32 $0x0, s20;
	[sflag:s22] =	ssyncset.done $0x0  }
0xa1: {  	[sflag:s22] =	ssyncadd.s32 s5;
	_ =	sdelay $0x1  }
0xa2: {  	s23 =	simm.s32 $0x1B8B  }
0xa3: {  	_ =	swait.ge [sflag:s23], $0x1  }
0xa4: {  	[sflag:s23] =	ssyncset.done $0x0  }
0xa5: {  	s25 =	simm.s32 $0x1B8E;
	s24 =	sld [smem:$0x3FFE];
	[sflag:s23] =	ssyncadd.s32 $0xFFFFFFFF  }
0xa6: {  	s26 =	simm.s32 $execute0_lowered;
	[smem:$0x3FD2] =	sst s25  }
0xa7: {  	s6 =	sshll.u32 s26, $0x1;
	_ =	strace $0x80000046;
	[dreg:$0x1] =	wrdreg $0xFFFFFFFF  }
0xa8: {  	s28 =	simm.s32 $_size_execute0_lowered;
	s4 =	sadd.s32 s4, s6;
	[dreg:$0x0] =	wrdreg $0x0  }
0xa9: {  	s6 =	sshll.u32 s28, $0x1;
	[dreg:$0x2] =	wrdreg s4  }
0xaa: {  	[dreg:$0x3] =	wrdreg s6  }
0xab: {  	[dreg:$0x4] =	wrdreg $0xC0  }
0xac: {  	_ =	task [dreg:s8], $0x5FFFF  }
0xad: {  	[dreg:$0x1] =	wrdreg $0xFFFFFFFF  }
0xae: {  	[dreg:$0x0] =	wrdreg $0x60  }
0xaf: {  	[dreg:$0x2] =	wrdreg s2  }
0xb0: {  	[dreg:$0x3] =	wrdreg s18  }
0xb1: {  	[dreg:$0x4] =	wrdreg s24  }
0xb2: {  	[dreg:$0x5] =	wrdreg $0x9  }
0xb3: {  	_ =	task.clear_ibuf [dreg:s8], $0x6FFFF;
	_ =	strace $0x90000046  }
0xb4: {  	s29 =	simm.s32 $0x9;
	_ =	strace $0x80000048  }
0xb5: {  	_ =	swait.ge [sflag:s29], $0x1  }
0xb6: {  	[sflag:s29] =	ssyncadd.s32 $0xFFFFFFFF  }
0xb7: {  	_ =	strace $0x90000048  }
0xb8: {  	_ =	sfence  }
0xb9: {  	s30 =	sld [smem:$0x0];
	_ =	sdelay $0x2  }
0xba: {  	s31 =	sshll.u32 s1, $0xD;
	s1 =	sshrl.u32 s1, $0x2  }
0xbb: {  	s3 =	sand.u32 $0x4000, s31;
	s1 =	sadd.s32 s1, s30  }
0xbc: {  	s0 =	sor.u32 s3, s0;
	s1 =	sshll.u32 s1, $0x11  }
0xbd: {  	s0 =	sor.u32 s1, s0  }
0xbe: {  	s0 =	sadd.s32 $0x8F2B, s0  }
0xbf: {  	[sflag:s0] =	ssyncadd.remote.s32 $0x1  }
0xc0: {  	_ =	sfence.sel $0xFFFF  }
0xc1: {  	[dreg:$0x0] =	wrdreg $0xFFFFFFFF;
	(pc) =	sbr.abs _section_cstart, $3  }
0xc2: {  	[dreg:$0x1] =	wrdreg $0xFFFFFFFF  }
0xc3: {  	_ =	task.clear_ibuf [dreg:s8], $0x2FFFF;
	_ =	strace $0x9FFFFFFF  }
0xc4: {  	(tm) =	ssettm $0x7FFFFFFF  }
0xc5: {  	_ =	shalt  }
tec
execute0_lowered:
.L_overlay_start_1:
0x0: {  	(tag) =	ssettag $0x1  }
0x1: {  	s5 =	rddreg [dreg:$0x0]  }
0x2: {  	s1 =	srdreg.scid;
	s2 =	rddreg [dreg:$0x1]  }
0x3: {  	s0 =	stileid.u32;
	s6 =	rddreg [dreg:$0x2]  }
0x4: {  	s3 =	simm.s32 $0x0;
	s11 =	simm.s32 $0xC800;
	s4 =	sand.u32 $0x1, s1  }
0x5: {  	s12 =	simm.s32 $0x1;
	s7 =	sshll.u32 s0, $0x2;
	s8 =	sshll.u32 s4, $0x1  }
0x6: {  	s13 =	simm.s32 $0x2;
	s1 =	rddreg [dreg:$0x3];
	s7 =	sor.u32 s8, s7  }
0x7: {  	s14 =	simm.s32 $0x0;
	[smem:$0x7FF] =	sst s3;
	s8 =	smul.u32 $0x6400, s7  }
0x8: {  	s9 =	sadd.s32 $0x600, s6;
	s4 =	ssub.s32 $0x2, s4;
	s7 =	smul.u32 $0xC80, s7  }
0x9: {  	_ =	strace $0x80000047;
	s31 =	sshrl.u32 s4, $0x1;
	s8 =	sshrl.u32 s8, $0x3  }
0xa: {  	s10 =	ssub.s32 s4, s31;
	s4 =	sadd.s32 s5, s7;
	s8 =	sadd.s32 $0xC80, s8  }
0xb: {  	s6 =	sadd.s32 s9, s7;
	s5 =	sadd.s32 s5, s8;
	s7 =	sadd.s32 s9, s8  }
0xc: {  	s8 =	smax.u32 s10, $0x1;
	s9 =	simm.s32 $0x3;
	s10 =	simm.s32 $0x6400  }
.LBB2_1:
0xd: {  	[tilespmem:s3], [sflag:$0x3] =	stream.linear.gather [hbm4b:s2+s3], $0x6400, $0x38;
	[tilespmem:$0x12C00] =	vst v63  }
0xe: {  	_ =	swait.ge [sflag:s9], $0x6400  }
0xf: {  	[sflag:s9] =	ssyncset.done $0x0  }
0x10: {  	[sflag:s9] =	ssyncadd.s32 $0xFFFF9C00  }
0x11: {  	[tilespmem:s10], [sflag:$0x1] =	stream.linear.gather [hbm4b:s4+s3], $0x6400, $0x38;
	[tilespmem:$0x12C00] =	vst v63  }
0x12: {  	_ = 	snop  }
0x13: {  	[tilespmem:s11], [sflag:$0x1] =	stream.linear.gather [hbm4b:s5+s3], $0x6400, $0x38;
	[tilespmem:$0x12C00] =	vst v63  }
0x14: {  	_ =	swait.ge [sflag:s12], $0x6400  }
0x15: {  	[sflag:s12] =	ssyncset.done $0x0  }
0x16: {  	s15 =	simm.s32 $0x0;
	[sflag:s12] =	ssyncadd.s32 $0xFFFF9C00  }
0x17: {  	v7 =	vld [tilespmem:s15+$0x0]  }
0x18: {  	v11 =	vld [tilespmem:s15+$0x10]  }
0x19: {  	v5 =	vld [tilespmem:s15+$0x20]  }
0x1a: {  	v4 =	vld [tilespmem:s15+$0x30]  }
0x1b: {  	v3 =	vld [tilespmem:s15+$0x40]  }
0x1c: {  	v2 =	vld [tilespmem:s15+$0x50]  }
0x1d: {  	v1 =	vld [tilespmem:s15+$0x60]  }
0x1e: {  	v0 =	vld [tilespmem:s15+$0x70]  }
0x1f: {  	v12 =	vld [tilespmem:s15+$0x6400]  }
0x20: {  	v13 =	vld [tilespmem:s15+$0x6410]  }
0x21: {  	v10 =	vld [tilespmem:s15+$0x6420]  }
0x22: {  	v9 =	vld [tilespmem:s15+$0x6430]  }
0x23: {  	v8 =	vld [tilespmem:s15+$0x6440]  }
0x24: {  	v6 =	vld [tilespmem:s15+$0x6450];
	v12 =	vadd.f32 v7, v12  }
0x25: {  	s16 =	simm.s32 $0x200;
	v11 =	vadd.f32 v11, v13;
	v7 =	vld [tilespmem:s15+$0x6460]  }
.LBB2_2:
0x26: {  	s17 =	sshra.s32 s16, $0x2;
	p0 =	sne.s32 s16, $0x18E00;
	[tilespmem:s15+$0x6400] =	vst v12;
	v5 =	vadd.f32 v5, v10;
	v10 =	vld [tilespmem:s15+$0x6470]  }
0x27: {  	v12 =	vld [tilespmem:s17+$0x0];
	[tilespmem:s15+$0x6410] =	vst v11;
	v4 =	vadd.f32 v4, v9  }
0x28: {  	v11 =	vld [tilespmem:s17+$0x10];
	[tilespmem:s15+$0x6420] =	vst v5;
	v3 =	vadd.f32 v3, v8  }
0x29: {  	v5 =	vld [tilespmem:s17+$0x20];
	[tilespmem:s15+$0x6430] =	vst v4;
	v2 =	vadd.f32 v2, v6  }
0x2a: {  	v4 =	vld [tilespmem:s17+$0x30];
	[tilespmem:s15+$0x6440] =	vst v3;
	v1 =	vadd.f32 v1, v7  }
0x2b: {  	v3 =	vld [tilespmem:s17+$0x40];
	[tilespmem:s15+$0x6450] =	vst v2;
	v0 =	vadd.f32 v0, v10  }
0x2c: {  	v2 =	vld [tilespmem:s17+$0x50];
	[tilespmem:s15+$0x6460] =	vst v1  }
0x2d: {  	v1 =	vld [tilespmem:s17+$0x60];
	[tilespmem:s15+$0x6470] =	vst v0;
	s15 =	smov.u32 s17  }
0x2e: {  	v0 =	vld [tilespmem:s15+$0x70]  }
0x2f: {  	v6 =	vld [tilespmem:s15+$0x6400]  }
0x30: {  	v7 =	vld [tilespmem:s15+$0x6410]  }
.Ltmp0:
0x31: {  	v10 =	vld [tilespmem:s15+$0x6420];
	(pc) =	sbr.rel @p0 .LBB2_2-.Ltmp0, $4  }
0x32: {  	v9 =	vld [tilespmem:s15+$0x6430]  }
0x33: {  	v8 =	vld [tilespmem:s15+$0x6440]  }
0x34: {  	v12 =	vadd.f32 v12, v6;
	v6 =	vld [tilespmem:s15+$0x6450]  }
0x35: {  	s16 =	sadd.s32 $0x200, s16;
	v11 =	vadd.f32 v11, v7;
	v7 =	vld [tilespmem:s15+$0x6460]  }
0x36: {  	[tilespmem:s15+$0x6400] =	vst v12;
	v5 =	vadd.f32 v5, v10;
	v10 =	vld [tilespmem:s15+$0x6470]  }
0x37: {  	[tilespmem:s15+$0x6410] =	vst v11;
	v4 =	vadd.f32 v4, v9  }
0x38: {  	[tilespmem:s15+$0x6420] =	vst v5;
	v3 =	vadd.f32 v3, v8  }
0x39: {  	[tilespmem:s15+$0x6430] =	vst v4;
	v2 =	vadd.f32 v2, v6  }
0x3a: {  	[tilespmem:s15+$0x6440] =	vst v3;
	v1 =	vadd.f32 v1, v7  }
0x3b: {  	[tilespmem:s15+$0x6450] =	vst v2;
	v0 =	vadd.f32 v0, v10  }
0x3c: {  	[tilespmem:s15+$0x6460] =	vst v1  }
0x3d: {  	s31 =	simm.s32 $0x0;
	[tilespmem:s15+$0x6470] =	vst v0  }
0x3e: {  	[hbm4b:s6+s31] =	stream.linear.scatter [tilespmem:s10], [sflag:$0x2], $0x6400, $0x38;
	[tilespmem:$0x12C00] =	vst v63  }
0x3f: {  	_ =	swait.ge [sflag:s12], $0x6400  }
0x40: {  	[sflag:s12] =	ssyncset.done $0x0  }
0x41: {  	s15 =	simm.s32 $0x0;
	[sflag:s12] =	ssyncadd.s32 $0xFFFF9C00  }
0x42: {  	v7 =	vld [tilespmem:s15+$0x0]  }
0x43: {  	v11 =	vld [tilespmem:s15+$0x10]  }
0x44: {  	v5 =	vld [tilespmem:s15+$0x20]  }
0x45: {  	v4 =	vld [tilespmem:s15+$0x30]  }
0x46: {  	v3 =	vld [tilespmem:s15+$0x40]  }
0x47: {  	v2 =	vld [tilespmem:s15+$0x50]  }
0x48: {  	v1 =	vld [tilespmem:s15+$0x60]  }
0x49: {  	v0 =	vld [tilespmem:s15+$0x70]  }
0x4a: {  	v12 =	vld [tilespmem:s15+$0xC800]  }
0x4b: {  	v13 =	vld [tilespmem:s15+$0xC810]  }
0x4c: {  	v10 =	vld [tilespmem:s15+$0xC820]  }
0x4d: {  	v9 =	vld [tilespmem:s15+$0xC830]  }
0x4e: {  	v8 =	vld [tilespmem:s15+$0xC840]  }
0x4f: {  	v6 =	vld [tilespmem:s15+$0xC850];
	v12 =	vadd.f32 v7, v12  }
0x50: {  	s16 =	simm.s32 $0x200;
	v11 =	vadd.f32 v11, v13;
	v7 =	vld [tilespmem:s15+$0xC860]  }
.LBB2_4:
0x51: {  	s17 =	sshra.s32 s16, $0x2;
	p0 =	sne.s32 s16, $0x18E00;
	[tilespmem:s15+$0xC800] =	vst v12;
	v5 =	vadd.f32 v5, v10;
	v10 =	vld [tilespmem:s15+$0xC870]  }
0x52: {  	v12 =	vld [tilespmem:s17+$0x0];
	[tilespmem:s15+$0xC810] =	vst v11;
	v4 =	vadd.f32 v4, v9  }
0x53: {  	v11 =	vld [tilespmem:s17+$0x10];
	[tilespmem:s15+$0xC820] =	vst v5;
	v3 =	vadd.f32 v3, v8  }
0x54: {  	v5 =	vld [tilespmem:s17+$0x20];
	[tilespmem:s15+$0xC830] =	vst v4;
	v2 =	vadd.f32 v2, v6  }
0x55: {  	v4 =	vld [tilespmem:s17+$0x30];
	[tilespmem:s15+$0xC840] =	vst v3;
	v1 =	vadd.f32 v1, v7  }
0x56: {  	v3 =	vld [tilespmem:s17+$0x40];
	[tilespmem:s15+$0xC850] =	vst v2;
	v0 =	vadd.f32 v0, v10  }
0x57: {  	v2 =	vld [tilespmem:s17+$0x50];
	[tilespmem:s15+$0xC860] =	vst v1  }
0x58: {  	v1 =	vld [tilespmem:s17+$0x60];
	[tilespmem:s15+$0xC870] =	vst v0;
	s15 =	smov.u32 s17  }
0x59: {  	v0 =	vld [tilespmem:s15+$0x70]  }
0x5a: {  	v6 =	vld [tilespmem:s15+$0xC800]  }
0x5b: {  	v7 =	vld [tilespmem:s15+$0xC810]  }
.Ltmp1:
0x5c: {  	v10 =	vld [tilespmem:s15+$0xC820];
	(pc) =	sbr.rel @p0 .LBB2_4-.Ltmp1, $4  }
0x5d: {  	v9 =	vld [tilespmem:s15+$0xC830]  }
0x5e: {  	v8 =	vld [tilespmem:s15+$0xC840]  }
0x5f: {  	v12 =	vadd.f32 v12, v6;
	v6 =	vld [tilespmem:s15+$0xC850]  }
0x60: {  	s16 =	sadd.s32 $0x200, s16;
	v11 =	vadd.f32 v11, v7;
	v7 =	vld [tilespmem:s15+$0xC860]  }
0x61: {  	[tilespmem:s15+$0xC800] =	vst v12;
	v5 =	vadd.f32 v5, v10;
	v63 =	vld [tilespmem:s15+$0xC870]  }
0x62: {  	[tilespmem:s15+$0xC810] =	vst v11;
	v4 =	vadd.f32 v4, v9  }
0x63: {  	[tilespmem:s15+$0xC820] =	vst v5;
	v3 =	vadd.f32 v3, v8  }
0x64: {  	[tilespmem:s15+$0xC830] =	vst v4;
	v2 =	vadd.f32 v2, v6  }
0x65: {  	[tilespmem:s15+$0xC840] =	vst v3;
	v1 =	vadd.f32 v1, v7  }
0x66: {  	[tilespmem:s15+$0xC850] =	vst v2;
	v0 =	vadd.f32 v0, v63  }
0x67: {  	[tilespmem:s15+$0xC860] =	vst v1  }
0x68: {  	s14 =	sadd.s32 $0x1, s14;
	[tilespmem:s15+$0xC870] =	vst v0  }
0x69: {  	[hbm4b:s7+s3] =	stream.linear.scatter [tilespmem:s11], [sflag:$0x2], $0x6400, $0x38;
	[tilespmem:$0x12C00] =	vst v63  }
0x6a: {  	p0 =	sne.s32 s14, s8;
	_ =	swait.ge [sflag:s13], $0x6400  }
.Ltmp2:
0x6b: {  	[sflag:s13] =	ssyncset.done $0x0;
	(pc) =	sbr.rel @p0 .LBB2_1-.Ltmp2, $4  }
0x6c: {  	[sflag:s13] =	ssyncadd.s32 $0xFFFF9C00  }
0x6d: {  	_ =	swait.ge [sflag:s13], $0x6400  }
0x6e: {  	[sflag:s13] =	ssyncset.done $0x0  }
0x6f: {  	[sflag:s13] =	ssyncadd.s32 $0xFFFF9C00  }
0x70: {  	_ =	sfence.sel $0x180000  }
0x71: {  	[bflag:$0x0] =	sbarrier.arrive $0xFFFF  }
0x72: {  	p0 =	sne.s32 s0, $0x0;
	_ =	strace $0x90000047  }
0x73: {  	s0 =	sadd.s32 @!p0 $0x100000, s1;
	[bflag:$0x2] =	sbarrier.arrive $0xFFFF  }
0x74: {  	[sflag:s0] =	ssyncadd.tile.s32 @!p0 $0x1;
	_ =	shalt  }
.Lfunc_end2:
_tile_overlayer_lowered:
.L_overlay_start_2:
0x75: {  	(tag) =	ssettag $0x2  }
0x76: {  	s0 =	rddreg [dreg:$0x0];
	s2 =	stileid.u32  }
0x77: {  	s1 =	rddreg [dreg:$0x1];
	p0 =	sne.s32 s2, $0x0  }
0x78: {  	s3 =	rddreg [dreg:$0x2];
	[bflag:$0x3] =	sbarrier.arrive $0xFFFF;
	s2 =	simm.s32 @!p0 $0x1C03  }
0x79: {  	[timem:s3], [sflag:s2] =	dma.local @!p0 [hbm:s0], s1  }
0x7a: {  	s0 =	simm.s32 @!p0 $0x3  }
0x7b: {  	_ =	swait.ge @!p0 [sflag:s0], s1  }
0x7c: {  	s1 =	ssub.s32 @!p0 $0x0, s1;
	[sflag:s0] =	ssyncset.done @!p0 $0x0  }
0x7d: {  	[sflag:s0] =	ssyncadd.s32 @!p0 s1  }
0x7e: {  	[bflag:$0x3] =	sbarrier.arrive $0xFFFF  }
0x7f: {  	_ =	shalt  }

</sc_bundles>
